<compile_context>
chip_gen: v7x
topology: tpu7x:2x2x1
jax: 0.10.2.dev20260603
libtpu: 0.0.44.dev20260713+nightly
codegen_flags: <defaults>
</compile_context>

<pallas_src>
import functools

import jax
import jax.numpy as jnp
from jax import lax
from jax.experimental import pallas as pl
from jax.experimental.pallas import tpu as pltpu
from jax.experimental.pallas import tpu_sc as plsc

D = 128
N_CAT = 26
D_CONT = D - N_CAT
VOCAB = 1000
EMB_DIM = 32
BATCH = 4096
EMB_W = N_CAT * EMB_DIM

NUM_CORES = 2
NUM_SUBCORES = 16
NW = NUM_CORES * NUM_SUBCORES
ROWS = BATCH // NW
LANES = 16

CAT_BASE = 96
CAT_OFF = D_CONT - CAT_BASE


def _body(x_hbm, tab_hbm, emb_hbm, gath, xcat, idx2d, sem_g, sem_w):
    wid = lax.axis_index("s") * NUM_CORES + lax.axis_index("c")
    base = wid * ROWS
    lanes = lax.iota(jnp.int32, LANES)

    pltpu.sync_copy(x_hbm.at[pl.ds(base, ROWS), pl.ds(CAT_BASE, 32)], xcat)

    def feat(i, cc):
        col = jnp.full((LANES,), i + CAT_OFF, jnp.int32)
        for m in range(ROWS // LANES):
            rows = m * LANES + lanes
            v = plsc.load_gather(xcat, [rows, col])
            idx2d[i, pl.ds(m * LANES, LANES)] = v.astype(jnp.int32)
        pltpu.make_async_copy(
            tab_hbm.at[i].at[idx2d.at[i]], gath.at[i], sem_g.at[i]
        ).start()
        return cc

    lax.fori_loop(0, N_CAT, feat, 0)

    def pipe(g, cc):
        pltpu.make_async_copy(
            tab_hbm.at[g].at[idx2d.at[g]], gath.at[g], sem_g.at[g]
        ).wait()
        pltpu.make_async_copy(
            gath.at[g],
            emb_hbm.at[pl.ds(base, ROWS), pl.ds(g * EMB_DIM, EMB_DIM)],
            sem_w,
        ).start()
        return cc

    lax.fori_loop(0, N_CAT, pipe, 0)

    def drain_out(g, cc):
        pltpu.make_async_copy(
            gath.at[g],
            emb_hbm.at[pl.ds(base, ROWS), pl.ds(g * EMB_DIM, EMB_DIM)],
            sem_w,
        ).wait()
        return cc

    lax.fori_loop(0, N_CAT, drain_out, 0)


_sc_call = functools.partial(
    pl.kernel,
    mesh=plsc.VectorSubcoreMesh(core_axis_name="c", subcore_axis_name="s"),
    out_type=jax.ShapeDtypeStruct((BATCH, EMB_W), jnp.float32),
    scratch_types=[
        pltpu.VMEM((N_CAT, ROWS, EMB_DIM), jnp.float32),
        pltpu.VMEM((ROWS, 32), jnp.float32),
        pltpu.VMEM((N_CAT, ROWS), jnp.int32),
        pltpu.SemaphoreType.DMA((N_CAT,)),
        pltpu.SemaphoreType.DMA,
    ],
    compiler_params=pltpu.CompilerParams(
        use_tc_tiling_on_sc=False, needs_layout_passes=False
    ),
)(_body)


@jax.jit
def kernel(X, emb_tables, categ_idcs, non_categ_mask):
    emb = _sc_call(X, emb_tables)
    return jnp.concatenate([X[:, :D_CONT], emb], axis=-1)

# --- scband reference (transcript-rebuilt; emitter-appended) ---
"""Pipeline reference for scband-embedding-transform-36447092474337 (READ-ONLY COPY).

The authoritative reference and input builder live on the scoring server;
editing this copy changes nothing except your own understanding.
"""

import jax, jax.numpy as jnp
import numpy as np

D = 128
N_CAT = 26
D_CONT = D - N_CAT
VOCAB = 1000
EMB_DIM = 32
BATCH = 4096


def setup_inputs(seed: int = 0) -> dict:
    key = jax.random.key(seed)
    k1, k2, k3 = jax.random.split(key, 3)
    cont = jax.random.normal(k1, (BATCH, D_CONT), dtype=jnp.float32)
    cats = jax.random.randint(k2, (BATCH, N_CAT), 0, VOCAB).astype(jnp.float32)
    X = jnp.concatenate([cont, cats], axis=-1)
    # one embedding table per categorical feature, stacked: [N_CAT, VOCAB, EMB_DIM]
    emb_tables = jax.random.normal(k3, (N_CAT, VOCAB, EMB_DIM), dtype=jnp.float32) * 0.05
    categ_idcs = jnp.arange(D_CONT, D, dtype=jnp.int32)
    non_categ_mask = jnp.concatenate([jnp.ones((D_CONT,), dtype=bool), jnp.zeros((N_CAT,), dtype=bool)])
    return {"X": X, "emb_tables": emb_tables, "categ_idcs": categ_idcs, "non_categ_mask": non_categ_mask}


def reference(X, emb_tables, categ_idcs, non_categ_mask):
    # Faithful translation of EmbeddingTransform.transform:
    # for each categorical index, gather from its embedding table using the
    # (float-stored) category id cast to int, write into X_emb slot, then
    # concat [continuous columns, X_emb].
    n_cat = categ_idcs.shape[0]
    d_cont = X.shape[-1] - emb_tables.shape[0]
    embs = []
    for i in range(n_cat):
        table = emb_tables[i]
        col_f = jnp.take(X, categ_idcs[i], axis=-1)
        col = jax.lax.stop_gradient(col_f).astype(jnp.int32)
        emb = jnp.take(table, col.reshape(-1), axis=0)
        emb = emb.reshape(X.shape[:-1] + (table.shape[-1],))
        embs.append(emb)
    X_emb = jnp.concatenate(embs, axis=-1)
    cont_idcs = jnp.nonzero(non_categ_mask, size=d_cont)[0]
    X_cont = jnp.take(X, cont_idcs, axis=-1)
    return jnp.concatenate([X_cont, X_emb], axis=-1)

if __name__ == "__main__":
    import jax
    _d = setup_inputs()
    print(jax.jit(kernel)(*tuple(_d.values())))

</pallas_src>

<mosaic_0001>
#map = affine_map<(d0, d1) -> (0, 0)>
#map1 = affine_map<(d0, d1) -> (0, 0, 0)>
module attributes {stable_mosaic.version = 14 : i64} {
  func.func @_body(%arg0: i32, %arg1: i32, %arg2: memref<4096x128xf32, #tpu.memory_space<hbm>>, %arg3: memref<26x1000x32xf32, #tpu.memory_space<hbm>>, %arg4: memref<4096x832xf32, #tpu.memory_space<hbm>>, %arg5: memref<26x128x32xf32, #tpu.memory_space<vmem>>, %arg6: memref<128x32xf32, #tpu.memory_space<vmem>>, %arg7: memref<26x128xi32, #tpu.memory_space<vmem>>, %arg8: memref<26x!tpu.dma_semaphore, #tpu.memory_space<semaphore_mem>>, %arg9: memref<!tpu.dma_semaphore, #tpu.memory_space<semaphore_mem>>) attributes {dimension_semantics = [#tpu.dimension_semantics<core_parallel>, #tpu.dimension_semantics<subcore_parallel>], iteration_bounds = array<i64: 2, 16>, scalar_prefetch = 0 : i64, scratch_operands = 5 : i64, tpu.core_type = #tpu.core_type<sc_vector_subcore>, window_params = [{transform_indices = #map}, {transform_indices = #map1}, {transform_indices = #map}]} {
    %mul3A = arith.constant 2 : i32
    %mul3A_0 = arith.muli %arg1, %mul3A : i32
    %add3A = arith.addi %mul3A_0, %arg0 : i32
    %mul3A_1 = arith.constant 128 : i32
    %mul3A_2 = arith.muli %add3A, %mul3A_1 : i32
    %iota3A = tpu.iota {dimensions = array<i32: 0>} : vector<16xi32>
    "tpu.region"() ({
      %run_scoped3A = tpu.sem_alloc : memref<!tpu.dma_semaphore, #tpu.memory_space<semaphore_mem>>
      %dma_start3A = arith.constant 96 : i32
      %dma_start3A_20 = tpu.memref_slice %arg2[%mul3A_2, %dma_start3A] : memref<4096x128xf32, #tpu.memory_space<hbm>> -> memref<128x32xf32, #tpu.memory_space<hbm>>
      %dma_start3A_21 = arith.constant 96 : i32
      %dma_start3A_22 = tpu.memref_slice %arg2[%mul3A_2, %dma_start3A_21] : memref<4096x128xf32, #tpu.memory_space<hbm>> -> memref<128x32xf32, #tpu.memory_space<hbm>>
      tpu.enqueue_dma source(%dma_start3A_22 : memref<128x32xf32, #tpu.memory_space<hbm>>) target(%arg6 : memref<128x32xf32, #tpu.memory_space<vmem>>) target_semaphore(%run_scoped3A : memref<!tpu.dma_semaphore, #tpu.memory_space<semaphore_mem>>)
      %dma_wait3A = arith.constant 96 : i32
      %dma_wait3A_23 = tpu.memref_slice %arg2[%mul3A_2, %dma_wait3A] : memref<4096x128xf32, #tpu.memory_space<hbm>> -> memref<128x32xf32, #tpu.memory_space<hbm>>
      %dma_wait3A_24 = arith.constant 96 : i32
      %dma_wait3A_25 = tpu.memref_slice %arg2[%mul3A_2, %dma_wait3A_24] : memref<4096x128xf32, #tpu.memory_space<hbm>> -> memref<128x32xf32, #tpu.memory_space<hbm>>
      tpu.wait_dma2 semaphore(%run_scoped3A : memref<!tpu.dma_semaphore, #tpu.memory_space<semaphore_mem>>) src(%dma_wait3A_25 : memref<128x32xf32, #tpu.memory_space<hbm>>) dst(%arg6 : memref<128x32xf32, #tpu.memory_space<vmem>>)
      tpu.yield
    }) : () -> ()
    %scan3A = arith.constant 0 : i32
    %scan3A_3 = arith.constant 0 : i32
    %scan3A_4 = arith.constant 26 : i32
    %scan3A_5 = arith.addi %scan3A_3, %scan3A_4 : i32
    %scan3A_6 = arith.constant 1 : i32
    scf.for %scan3A_20 = %scan3A_3 to %scan3A_5 step %scan3A_6  : i32 {
      %add3A_21 = arith.constant 6 : i32
      %add3A_22 = arith.addi %scan3A_20, %add3A_21 : i32
      %broadcast_in_dim3A = vector.broadcast %add3A_22 : i32 to vector<16xi32>
      %add3A_23 = arith.constant 0 : i32
      %add3A_24 = vector.broadcast %add3A_23 : i32 to vector<16xi32>
      %add3A_25 = arith.addi %add3A_24, %iota3A : vector<16xi32>
      %gather3A = tpu.vector_load_idx %arg6[%add3A_25, %broadcast_in_dim3A] : memref<128x32xf32, #tpu.memory_space<vmem>>[vector<16xi32>, vector<16xi32>], vector<16xf32>,
      %convert_element_type3A = arith.fptosi %gather3A : vector<16xf32> to vector<16xi32>
      %swap3A = arith.index_cast %scan3A_20 : i32 to index
      %swap3A_26 = arith.constant 0 : index
      %swap3A_27 = tpu.vector_load %arg7[%swap3A, %swap3A_26] {strides = array<i32>} : memref<26x128xi32, #tpu.memory_space<vmem>>, vector<16xi32>,
      tpu.vector_store %arg7[%swap3A, %swap3A_26], %convert_element_type3A {strides = array<i32>} : memref<26x128xi32, #tpu.memory_space<vmem>>, vector<16xi32>,
      %add3A_28 = arith.constant 16 : i32
      %add3A_29 = vector.broadcast %add3A_28 : i32 to vector<16xi32>
      %add3A_30 = arith.addi %add3A_29, %iota3A : vector<16xi32>
      %gather3A_31 = tpu.vector_load_idx %arg6[%add3A_30, %broadcast_in_dim3A] : memref<128x32xf32, #tpu.memory_space<vmem>>[vector<16xi32>, vector<16xi32>], vector<16xf32>,
      %convert_element_type3A_32 = arith.fptosi %gather3A_31 : vector<16xf32> to vector<16xi32>
      %swap3A_33 = arith.index_cast %scan3A_20 : i32 to index
      %swap3A_34 = arith.constant 16 : index
      %swap3A_35 = tpu.vector_load %arg7[%swap3A_33, %swap3A_34] {strides = array<i32>} : memref<26x128xi32, #tpu.memory_space<vmem>>, vector<16xi32>,
      tpu.vector_store %arg7[%swap3A_33, %swap3A_34], %convert_element_type3A_32 {strides = array<i32>} : memref<26x128xi32, #tpu.memory_space<vmem>>, vector<16xi32>,
      %add3A_36 = arith.constant 32 : i32
      %add3A_37 = vector.broadcast %add3A_36 : i32 to vector<16xi32>
      %add3A_38 = arith.addi %add3A_37, %iota3A : vector<16xi32>
      %gather3A_39 = tpu.vector_load_idx %arg6[%add3A_38, %broadcast_in_dim3A] : memref<128x32xf32, #tpu.memory_space<vmem>>[vector<16xi32>, vector<16xi32>], vector<16xf32>,
      %convert_element_type3A_40 = arith.fptosi %gather3A_39 : vector<16xf32> to vector<16xi32>
      %swap3A_41 = arith.index_cast %scan3A_20 : i32 to index
      %swap3A_42 = arith.constant 32 : index
      %swap3A_43 = tpu.vector_load %arg7[%swap3A_41, %swap3A_42] {strides = array<i32>} : memref<26x128xi32, #tpu.memory_space<vmem>>, vector<16xi32>,
      tpu.vector_store %arg7[%swap3A_41, %swap3A_42], %convert_element_type3A_40 {strides = array<i32>} : memref<26x128xi32, #tpu.memory_space<vmem>>, vector<16xi32>,
      %add3A_44 = arith.constant 48 : i32
      %add3A_45 = vector.broadcast %add3A_44 : i32 to vector<16xi32>
      %add3A_46 = arith.addi %add3A_45, %iota3A : vector<16xi32>
      %gather3A_47 = tpu.vector_load_idx %arg6[%add3A_46, %broadcast_in_dim3A] : memref<128x32xf32, #tpu.memory_space<vmem>>[vector<16xi32>, vector<16xi32>], vector<16xf32>,
      %convert_element_type3A_48 = arith.fptosi %gather3A_47 : vector<16xf32> to vector<16xi32>
      %swap3A_49 = arith.index_cast %scan3A_20 : i32 to index
      %swap3A_50 = arith.constant 48 : index
      %swap3A_51 = tpu.vector_load %arg7[%swap3A_49, %swap3A_50] {strides = array<i32>} : memref<26x128xi32, #tpu.memory_space<vmem>>, vector<16xi32>,
      tpu.vector_store %arg7[%swap3A_49, %swap3A_50], %convert_element_type3A_48 {strides = array<i32>} : memref<26x128xi32, #tpu.memory_space<vmem>>, vector<16xi32>,
      %add3A_52 = arith.constant 64 : i32
      %add3A_53 = vector.broadcast %add3A_52 : i32 to vector<16xi32>
      %add3A_54 = arith.addi %add3A_53, %iota3A : vector<16xi32>
      %gather3A_55 = tpu.vector_load_idx %arg6[%add3A_54, %broadcast_in_dim3A] : memref<128x32xf32, #tpu.memory_space<vmem>>[vector<16xi32>, vector<16xi32>], vector<16xf32>,
      %convert_element_type3A_56 = arith.fptosi %gather3A_55 : vector<16xf32> to vector<16xi32>
      %swap3A_57 = arith.index_cast %scan3A_20 : i32 to index
      %swap3A_58 = arith.constant 64 : index
      %swap3A_59 = tpu.vector_load %arg7[%swap3A_57, %swap3A_58] {strides = array<i32>} : memref<26x128xi32, #tpu.memory_space<vmem>>, vector<16xi32>,
      tpu.vector_store %arg7[%swap3A_57, %swap3A_58], %convert_element_type3A_56 {strides = array<i32>} : memref<26x128xi32, #tpu.memory_space<vmem>>, vector<16xi32>,
      %add3A_60 = arith.constant 80 : i32
      %add3A_61 = vector.broadcast %add3A_60 : i32 to vector<16xi32>
      %add3A_62 = arith.addi %add3A_61, %iota3A : vector<16xi32>
      %gather3A_63 = tpu.vector_load_idx %arg6[%add3A_62, %broadcast_in_dim3A] : memref<128x32xf32, #tpu.memory_space<vmem>>[vector<16xi32>, vector<16xi32>], vector<16xf32>,
      %convert_element_type3A_64 = arith.fptosi %gather3A_63 : vector<16xf32> to vector<16xi32>
      %swap3A_65 = arith.index_cast %scan3A_20 : i32 to index
      %swap3A_66 = arith.constant 80 : index
      %swap3A_67 = tpu.vector_load %arg7[%swap3A_65, %swap3A_66] {strides = array<i32>} : memref<26x128xi32, #tpu.memory_space<vmem>>, vector<16xi32>,
      tpu.vector_store %arg7[%swap3A_65, %swap3A_66], %convert_element_type3A_64 {strides = array<i32>} : memref<26x128xi32, #tpu.memory_space<vmem>>, vector<16xi32>,
      %add3A_68 = arith.constant 96 : i32
      %add3A_69 = vector.broadcast %add3A_68 : i32 to vector<16xi32>
      %add3A_70 = arith.addi %add3A_69, %iota3A : vector<16xi32>
      %gather3A_71 = tpu.vector_load_idx %arg6[%add3A_70, %broadcast_in_dim3A] : memref<128x32xf32, #tpu.memory_space<vmem>>[vector<16xi32>, vector<16xi32>], vector<16xf32>,
      %convert_element_type3A_72 = arith.fptosi %gather3A_71 : vector<16xf32> to vector<16xi32>
      %swap3A_73 = arith.index_cast %scan3A_20 : i32 to index
      %swap3A_74 = arith.constant 96 : index
      %swap3A_75 = tpu.vector_load %arg7[%swap3A_73, %swap3A_74] {strides = array<i32>} : memref<26x128xi32, #tpu.memory_space<vmem>>, vector<16xi32>,
      tpu.vector_store %arg7[%swap3A_73, %swap3A_74], %convert_element_type3A_72 {strides = array<i32>} : memref<26x128xi32, #tpu.memory_space<vmem>>, vector<16xi32>,
      %add3A_76 = arith.constant 112 : i32
      %add3A_77 = vector.broadcast %add3A_76 : i32 to vector<16xi32>
      %add3A_78 = arith.addi %add3A_77, %iota3A : vector<16xi32>
      %gather3A_79 = tpu.vector_load_idx %arg6[%add3A_78, %broadcast_in_dim3A] : memref<128x32xf32, #tpu.memory_space<vmem>>[vector<16xi32>, vector<16xi32>], vector<16xf32>,
      %convert_element_type3A_80 = arith.fptosi %gather3A_79 : vector<16xf32> to vector<16xi32>
      %swap3A_81 = arith.index_cast %scan3A_20 : i32 to index
      %swap3A_82 = arith.constant 112 : index
      %swap3A_83 = tpu.vector_load %arg7[%swap3A_81, %swap3A_82] {strides = array<i32>} : memref<26x128xi32, #tpu.memory_space<vmem>>, vector<16xi32>,
      tpu.vector_store %arg7[%swap3A_81, %swap3A_82], %convert_element_type3A_80 {strides = array<i32>} : memref<26x128xi32, #tpu.memory_space<vmem>>, vector<16xi32>,
      %dma_start3A = arith.constant 0 : i32
      %dma_start3A_84 = arith.constant 0 : i32
      %dma_start3A_85 = tpu.memref_slice %arg5[%scan3A_20, %dma_start3A, %dma_start3A_84] : memref<26x128x32xf32, #tpu.memory_space<vmem>> -> memref<1x128x32xf32, #tpu.memory_space<vmem>>
      %dma_start3A_86 = tpu.memref_squeeze %dma_start3A_85 : memref<1x128x32xf32, #tpu.memory_space<vmem>> -> memref<128x32xf32, #tpu.memory_space<vmem>>
      %dma_start3A_87 = arith.constant 0 : i32
      %dma_start3A_88 = tpu.memref_slice %arg7[%scan3A_20, %dma_start3A_87] : memref<26x128xi32, #tpu.memory_space<vmem>> -> memref<1x128xi32, #tpu.memory_space<vmem>>
      %dma_start3A_89 = tpu.memref_squeeze %dma_start3A_88 : memref<1x128xi32, #tpu.memory_space<vmem>> -> memref<128xi32, #tpu.memory_space<vmem>>
      %dma_start3A_90 = arith.constant 0 : i32
      %dma_start3A_91 = arith.constant 0 : i32
      %dma_start3A_92 = tpu.memref_slice %arg3[%scan3A_20, %dma_start3A_90, %dma_start3A_91] : memref<26x1000x32xf32, #tpu.memory_space<hbm>> -> memref<1x1000x32xf32, #tpu.memory_space<hbm>>
      %dma_start3A_93 = tpu.memref_squeeze %dma_start3A_92 : memref<1x1000x32xf32, #tpu.memory_space<hbm>> -> memref<1000x32xf32, #tpu.memory_space<hbm>>
      %dma_start3A_94 = arith.constant 0 : i32
      %dma_start3A_95 = arith.constant 0 : i32
      %dma_start3A_96 = tpu.memref_slice %dma_start3A_93[%dma_start3A_94, %dma_start3A_95] : memref<1000x32xf32, #tpu.memory_space<hbm>> -> memref<1000x32xf32, #tpu.memory_space<hbm>>
      %dma_start3A_97 = tpu.memref_slice %arg8[%scan3A_20] : memref<26x!tpu.dma_semaphore, #tpu.memory_space<semaphore_mem>> -> memref<1x!tpu.dma_semaphore, #tpu.memory_space<semaphore_mem>>
      %dma_start3A_98 = tpu.memref_squeeze %dma_start3A_97 : memref<1x!tpu.dma_semaphore, #tpu.memory_space<semaphore_mem>> -> memref<!tpu.dma_semaphore, #tpu.memory_space<semaphore_mem>>
      tpu.enqueue_indirect_dma source(%dma_start3A_96 : memref<1000x32xf32, #tpu.memory_space<hbm>>) target(%dma_start3A_86 : memref<128x32xf32, #tpu.memory_space<vmem>>) offsets(%dma_start3A_89 : memref<128xi32, #tpu.memory_space<vmem>>) semaphore(%dma_start3A_98 : memref<!tpu.dma_semaphore, #tpu.memory_space<semaphore_mem>>)
    }
    %scan3A_7 = arith.constant 26 : i32
    %scan3A_8 = arith.constant 0 : i32
    %scan3A_9 = arith.constant 0 : i32
    %scan3A_10 = arith.constant 26 : i32
    %scan3A_11 = arith.addi %scan3A_9, %scan3A_10 : i32
    %scan3A_12 = arith.constant 1 : i32
    scf.for %scan3A_20 = %scan3A_9 to %scan3A_11 step %scan3A_12  : i32 {
      %dma_wait3A = arith.constant 0 : i32
      %dma_wait3A_21 = arith.constant 0 : i32
      %dma_wait3A_22 = tpu.memref_slice %arg5[%scan3A_20, %dma_wait3A, %dma_wait3A_21] : memref<26x128x32xf32, #tpu.memory_space<vmem>> -> memref<1x128x32xf32, #tpu.memory_space<vmem>>
      %dma_wait3A_23 = tpu.memref_squeeze %dma_wait3A_22 : memref<1x128x32xf32, #tpu.memory_space<vmem>> -> memref<128x32xf32, #tpu.memory_space<vmem>>
      %dma_wait3A_24 = arith.constant 0 : i32
      %dma_wait3A_25 = tpu.memref_slice %arg7[%scan3A_20, %dma_wait3A_24] : memref<26x128xi32, #tpu.memory_space<vmem>> -> memref<1x128xi32, #tpu.memory_space<vmem>>
      %dma_wait3A_26 = tpu.memref_squeeze %dma_wait3A_25 : memref<1x128xi32, #tpu.memory_space<vmem>> -> memref<128xi32, #tpu.memory_space<vmem>>
      %dma_wait3A_27 = arith.constant 0 : i32
      %dma_wait3A_28 = arith.constant 0 : i32
      %dma_wait3A_29 = tpu.memref_slice %arg3[%scan3A_20, %dma_wait3A_27, %dma_wait3A_28] : memref<26x1000x32xf32, #tpu.memory_space<hbm>> -> memref<1x1000x32xf32, #tpu.memory_space<hbm>>
      %dma_wait3A_30 = tpu.memref_squeeze %dma_wait3A_29 : memref<1x1000x32xf32, #tpu.memory_space<hbm>> -> memref<1000x32xf32, #tpu.memory_space<hbm>>
      %dma_wait3A_31 = arith.constant 0 : i32
      %dma_wait3A_32 = arith.constant 0 : i32
      %dma_wait3A_33 = tpu.memref_slice %dma_wait3A_30[%dma_wait3A_31, %dma_wait3A_32] : memref<1000x32xf32, #tpu.memory_space<hbm>> -> memref<1000x32xf32, #tpu.memory_space<hbm>>
      %dma_wait3A_34 = tpu.memref_slice %arg8[%scan3A_20] : memref<26x!tpu.dma_semaphore, #tpu.memory_space<semaphore_mem>> -> memref<1x!tpu.dma_semaphore, #tpu.memory_space<semaphore_mem>>
      %dma_wait3A_35 = tpu.memref_squeeze %dma_wait3A_34 : memref<1x!tpu.dma_semaphore, #tpu.memory_space<semaphore_mem>> -> memref<!tpu.dma_semaphore, #tpu.memory_space<semaphore_mem>>
      tpu.wait_indirect_dma semaphore(%dma_wait3A_35 : memref<!tpu.dma_semaphore, #tpu.memory_space<semaphore_mem>>) src(%dma_wait3A_33 : memref<1000x32xf32, #tpu.memory_space<hbm>>) dst(%dma_wait3A_23 : memref<128x32xf32, #tpu.memory_space<vmem>>)
      %mul3A_36 = arith.constant 32 : i32
      %mul3A_37 = arith.muli %scan3A_20, %mul3A_36 : i32
      %dma_start3A = arith.constant 0 : i32
      %dma_start3A_38 = arith.constant 0 : i32
      %dma_start3A_39 = tpu.memref_slice %arg5[%scan3A_20, %dma_start3A, %dma_start3A_38] : memref<26x128x32xf32, #tpu.memory_space<vmem>> -> memref<1x128x32xf32, #tpu.memory_space<vmem>>
      %dma_start3A_40 = tpu.memref_squeeze %dma_start3A_39 : memref<1x128x32xf32, #tpu.memory_space<vmem>> -> memref<128x32xf32, #tpu.memory_space<vmem>>
      %dma_start3A_41 = tpu.memref_slice %arg4[%mul3A_2, %mul3A_37] : memref<4096x832xf32, #tpu.memory_space<hbm>> -> memref<128x32xf32, #tpu.memory_space<hbm>>
      %dma_start3A_42 = tpu.memref_slice %arg4[%mul3A_2, %mul3A_37] : memref<4096x832xf32, #tpu.memory_space<hbm>> -> memref<128x32xf32, #tpu.memory_space<hbm>>
      %dma_start3A_43 = arith.constant 0 : i32
      %dma_start3A_44 = arith.constant 0 : i32
      %dma_start3A_45 = tpu.memref_slice %arg5[%scan3A_20, %dma_start3A_43, %dma_start3A_44] : memref<26x128x32xf32, #tpu.memory_space<vmem>> -> memref<1x128x32xf32, #tpu.memory_space<vmem>>
      %dma_start3A_46 = tpu.memref_squeeze %dma_start3A_45 : memref<1x128x32xf32, #tpu.memory_space<vmem>> -> memref<128x32xf32, #tpu.memory_space<vmem>>
      tpu.enqueue_dma source(%dma_start3A_46 : memref<128x32xf32, #tpu.memory_space<vmem>>) target(%dma_start3A_42 : memref<128x32xf32, #tpu.memory_space<hbm>>) target_semaphore(%arg9 : memref<!tpu.dma_semaphore, #tpu.memory_space<semaphore_mem>>)
    }
    %scan3A_13 = arith.constant 26 : i32
    %scan3A_14 = arith.constant 0 : i32
    %scan3A_15 = arith.constant 0 : i32
    %scan3A_16 = arith.constant 26 : i32
    %scan3A_17 = arith.addi %scan3A_15, %scan3A_16 : i32
    %scan3A_18 = arith.constant 1 : i32
    scf.for %scan3A_20 = %scan3A_15 to %scan3A_17 step %scan3A_18  : i32 {
      %mul3A_21 = arith.constant 32 : i32
      %mul3A_22 = arith.muli %scan3A_20, %mul3A_21 : i32
      %dma_wait3A = arith.constant 0 : i32
      %dma_wait3A_23 = arith.constant 0 : i32
      %dma_wait3A_24 = tpu.memref_slice %arg5[%scan3A_20, %dma_wait3A, %dma_wait3A_23] : memref<26x128x32xf32, #tpu.memory_space<vmem>> -> memref<1x128x32xf32, #tpu.memory_space<vmem>>
      %dma_wait3A_25 = tpu.memref_squeeze %dma_wait3A_24 : memref<1x128x32xf32, #tpu.memory_space<vmem>> -> memref<128x32xf32, #tpu.memory_space<vmem>>
      %dma_wait3A_26 = tpu.memref_slice %arg4[%mul3A_2, %mul3A_22] : memref<4096x832xf32, #tpu.memory_space<hbm>> -> memref<128x32xf32, #tpu.memory_space<hbm>>
      %dma_wait3A_27 = tpu.memref_slice %arg4[%mul3A_2, %mul3A_22] : memref<4096x832xf32, #tpu.memory_space<hbm>> -> memref<128x32xf32, #tpu.memory_space<hbm>>
      %dma_wait3A_28 = arith.constant 0 : i32
      %dma_wait3A_29 = arith.constant 0 : i32
      %dma_wait3A_30 = tpu.memref_slice %arg5[%scan3A_20, %dma_wait3A_28, %dma_wait3A_29] : memref<26x128x32xf32, #tpu.memory_space<vmem>> -> memref<1x128x32xf32, #tpu.memory_space<vmem>>
      %dma_wait3A_31 = tpu.memref_squeeze %dma_wait3A_30 : memref<1x128x32xf32, #tpu.memory_space<vmem>> -> memref<128x32xf32, #tpu.memory_space<vmem>>
      tpu.wait_dma2 semaphore(%arg9 : memref<!tpu.dma_semaphore, #tpu.memory_space<semaphore_mem>>) src(%dma_wait3A_31 : memref<128x32xf32, #tpu.memory_space<vmem>>) dst(%dma_wait3A_27 : memref<128x32xf32, #tpu.memory_space<hbm>>)
    }
    %scan3A_19 = arith.constant 26 : i32
    return
  }
}

</mosaic_0001>

<sc_bundles>
// kernel: kernel.3.cloned.1.call-start
scs
__scs_entry_jumppad:
0x0: {  	(pc) =	sbr.rel $0x88, $3  }
0x1: {  	(tag) =	ssettag $0x0;
	lr =	simm.s32 $0x1  }
0x2: {  	[smem:$0x3F9F] =	sst lr;
	_ =	strace $0xD0000000  }
0x3: {  	_ = 	snop  }
0x4: {  	_ = 	snop  }
0x5: {  	_ = 	snop  }
0x6: {  	_ = 	snop  }
0x7: {  	_ = 	snop  }
__scs_overlays_trampoline_lowered:
0x8: {  	[smem:$0x3FAE] =	sst s0  }
0x9: {  	[smem:$0x3FAF] =	sst s1  }
0xa: {  	[smem:$0x3FB0] =	sst s2  }
0xb: {  	[smem:$0x3FB1] =	sst s3  }
0xc: {  	[smem:$0x3FB2] =	sst s4  }
0xd: {  	[smem:$0x3FB3] =	sst s5  }
0xe: {  	[smem:$0x3FB4] =	sst s6  }
0xf: {  	[smem:$0x3FB5] =	sst s7  }
0x10: {  	[smem:$0x3FB6] =	sst s8  }
0x11: {  	[smem:$0x3FB7] =	sst s9;
	s0 =	simm.s32 @!p0 $0x0  }
0x12: {  	s1 =	sld [smem:$0x3F9D];
	s0 =	simm.s32 @p0 $0x1  }
0x13: {  	[smem:$0x3FB8] =	sst s0;
	s0 =	simm.s32 @!p1 $0x0  }
0x14: {  	s2 =	sld [smem:$0x3F9C];
	s0 =	simm.s32 @p1 $0x1  }
0x15: {  	[smem:$0x3FB9] =	sst s0;
	s0 =	simm.s32 @!p2 $0x0  }
0x16: {  	s3 =	sld [smem:$0x3FDB];
	s0 =	simm.s32 @p2 $0x1  }
0x17: {  	s4 =	simm.s32 $0x1BF5;
	[smem:$0x3FBB] =	sst s0  }
0x18: {  	s0 =	sld [smem:$0x3F9E];
	_ =	swait.ge [sflag:s4], $0x0  }
0x19: {  	s7 =	sld [smem:$0x3F9F]  }
0x1a: {  	s8 =	sadd.s32 $0xFFFFE003, lr  }
0x1b: {  	s9 =	sadd.s32 $0xFFFFFEF7, lr;
	s5 =	simm.s32 $0xFFFFFFFF;
	p2 =	slt.u32 s8, $0xFFFFF086  }
0x1c: {  	p1 =	slt.u32 s9, $0xF7A;
	s5 =	simm.s32 @!p2 $0x0  }
0x1d: {  	s5 =	simm.s32 @p1 $0x1;
	p0 =	seq.s32 s7, s2  }
0x1e: {  	s7 =	smul.u32 @!p0 $0xF7A, s2;
	p2 =	seq.s32 @!p0 s5, $0x0  }
0x1f: {  	s9 =	smul.u32 $0xF7A, s1;
	s8 =	simm.s32 @!p0 $0x1BF5;
	p2 =	por !p2, p0  }
0x20: {  	[sflag:s8] =	ssyncset.s32 @!p0 $0xFFFFF086;
	s6 =	sadd.s32 @!p0 s3, s7;
	s7 =	simm.s32 @!p0 $0x108  }
0x21: {  	s3 =	sadd.s32 s3, s9;
	s6 =	sadd.s32 @!p0 $0x88, s6;
	s7 =	simm.s32 @p2 $0x1082  }
0x22: {  	[simem:s7], [sflag:s8] =	dma.local @!p0 [hbm:s6], $0xF7A  }
0x23: {  	s9 =	sor.u32 $0xD0000000, s2;
	s6 =	simm.s32 $0x108;
	_ =	swait.ge @!p0 [sflag:s8], $0x0  }
0x24: {  	s3 =	sadd.s32 $0x88, s3;
	s6 =	simm.s32 @!p1 $0x1082;
	[sflag:s4] =	ssyncset.s32 $0xFFFFF086  }
0x25: {  	[simem:s6], [sflag:s4] =	dma.local [hbm:s3], $0xF7A  }
0x26: {  	[smem:$0x3F9F] =	sst s1;
	(tag) =	ssettag s2;
	_ =	strace s9  }
0x27: {  	s1 =	sld [smem:$0x3FAF]  }
0x28: {  	s2 =	sld [smem:$0x3FB0]  }
0x29: {  	s4 =	sld [smem:$0x3FB2]  }
0x2a: {  	p0 =	seq.s32 s5, $0x0;
	s5 =	sld [smem:$0x3FB3]  }
0x2b: {  	s6 =	sld [smem:$0x3FB4]  }
0x2c: {  	s7 =	sld [smem:$0x3FB5]  }
0x2d: {  	s3 =	simm.s32 $0x108;
	s8 =	sld [smem:$0x3FB6]  }
0x2e: {  	s3 =	simm.s32 @!p0 $0x1082;
	s9 =	sld [smem:$0x3FB7]  }
0x2f: {  	lr =	sadd.s32 s0, s3;
	s0 =	sld [smem:$0x3FAE]  }
0x30: {  	s3 =	sld [smem:$0x3FB1]  }
0x31: {  	[smem:$0x3FBA] =	sst s10  }
0x32: {  	s10 =	sld [smem:$0x3FB8];
	_ =	sdelay $0x3  }
0x33: {  	p0 =	seq.s32 s10, $0x1;
	s10 =	sld [smem:$0x3FBA];
	_ =	sdelay $0x3  }
0x34: {  	[smem:$0x3FBA] =	sst s10  }
0x35: {  	s10 =	sld [smem:$0x3FB9];
	_ =	sdelay $0x3  }
0x36: {  	p1 =	seq.s32 s10, $0x1;
	s10 =	sld [smem:$0x3FBA];
	_ =	sdelay $0x3  }
0x37: {  	[smem:$0x3FBA] =	sst s10  }
0x38: {  	s10 =	sld [smem:$0x3FBB]  }
0x39: {  	_ = 	snop;
	(pc) =	sbr.ind lr, $3  }
0x3a: {  	_ = 	snop  }
0x3b: {  	_ = 	snop  }
0x3c: {  	p2 =	seq.s32 s10, $0x1;
	s10 =	sld [smem:$0x3FBA]  }
0x3d: {  	_ =	shalt  }
0x3e: {  	_ =	shalt  }
0x3f: {  	_ =	shalt  }
0x40: {  	_ =	shalt  }
0x41: {  	_ =	shalt  }
0x42: {  	_ =	shalt  }
0x43: {  	_ =	shalt  }
0x44: {  	_ =	shalt  }
0x45: {  	_ =	shalt  }
0x46: {  	_ =	shalt  }
0x47: {  	_ =	shalt  }
0x48: {  	_ =	shalt  }
0x49: {  	_ =	shalt  }
0x4a: {  	_ =	shalt  }
0x4b: {  	_ =	shalt  }
0x4c: {  	_ =	shalt  }
0x4d: {  	_ =	shalt  }
0x4e: {  	_ =	shalt  }
0x4f: {  	_ =	shalt  }
0x50: {  	_ =	shalt  }
0x51: {  	_ =	shalt  }
0x52: {  	_ =	shalt  }
0x53: {  	_ =	shalt  }
0x54: {  	_ =	shalt  }
0x55: {  	_ =	shalt  }
0x56: {  	_ =	shalt  }
0x57: {  	_ =	shalt  }
0x58: {  	_ =	shalt  }
0x59: {  	_ =	shalt  }
0x5a: {  	_ =	shalt  }
0x5b: {  	_ =	shalt  }
0x5c: {  	_ =	shalt  }
0x5d: {  	_ =	shalt  }
0x5e: {  	_ =	shalt  }
0x5f: {  	_ =	shalt  }
0x60: {  	_ =	shalt  }
0x61: {  	_ =	shalt  }
0x62: {  	_ =	shalt  }
0x63: {  	_ =	shalt  }
0x64: {  	_ =	shalt  }
0x65: {  	_ =	shalt  }
0x66: {  	_ =	shalt  }
0x67: {  	_ =	shalt  }
0x68: {  	_ =	shalt  }
0x69: {  	_ =	shalt  }
0x6a: {  	_ =	shalt  }
0x6b: {  	_ =	shalt  }
0x6c: {  	_ =	shalt  }
0x6d: {  	_ =	shalt  }
0x6e: {  	_ =	shalt  }
0x6f: {  	_ =	shalt  }
0x70: {  	_ =	shalt  }
0x71: {  	_ =	shalt  }
0x72: {  	_ =	shalt  }
0x73: {  	_ =	shalt  }
0x74: {  	_ =	shalt  }
0x75: {  	_ =	shalt  }
0x76: {  	_ =	shalt  }
0x77: {  	_ =	shalt  }
0x78: {  	_ =	shalt  }
0x79: {  	_ =	shalt  }
0x7a: {  	_ =	shalt  }
0x7b: {  	_ =	shalt  }
0x7c: {  	_ =	shalt  }
0x7d: {  	_ =	shalt  }
0x7e: {  	_ =	shalt  }
0x7f: {  	_ =	shalt  }
0x80: {  	_ =	shalt  }
0x81: {  	_ =	shalt  }
0x82: {  	_ =	shalt  }
0x83: {  	_ =	shalt  }
0x84: {  	_ =	shalt  }
0x85: {  	_ =	shalt  }
0x86: {  	_ =	shalt  }
0x87: {  	_ =	shalt  }
.Lfunc_end0:
.L_simem_size_0:
called_computation_lowered:
.L_overlay_start_0:
0x88: {  	s2 =	sld [smem:$0x3FD9]  }
0x89: {  	s3 =	sld [smem:$0x3FFE];
	_ =	sdelay $0x1  }
0x8a: {  	s1 =	srdreg.scid  }
0x8b: {  	s0 =	sand.u32 $0x1, s1  }
0x8c: {  	s17 =	sshll.u32 s0, $0xA;
	s2 =	sadd.s32 s3, s2  }
0x8d: {  	s2 =	sadd.s32 s2, s17  }
0x8e: {  	[smem:$0x3FC6] =	sst s2  }
0x8f: {  	_ = 	snop  }
0x90: {  	s2 =	sld [smem:$0x3FC9]  }
0x91: {  	s18 =	sld [smem:$0x3FD0];
	(tm) =	ssettm $0x1  }
0x92: {  	s4 =	sld [smem:$0x3FFB];
	_ =	sdelay $0x3  }
0x93: {  	_ =	strace s4  }
0x94: {  	s4 =	sld [smem:$0x3FFC];
	_ =	sdelay $0x3  }
0x95: {  	_ =	strace s4  }
0x96: {  	s4 =	sld [smem:$0x3FFD];
	_ =	sdelay $0x3  }
0x97: {  	_ =	strace s4  }
0x98: {  	_ =	strace $0x8FFFFFFF  }
0x99: {  	s19 =	sld [smem:$0x3FDB];
	_ =	sdelay $0x1  }
0x9a: {  	s5 =	simm.s32 $_scs_section_size  }
0x9b: {  	s6 =	simm.s32 $_size__tile_overlayer_lowered;
	s7 =	simm.s32 $_tile_overlayer_lowered  }
0x9c: {  	s22 =	simm.s32 $0x1BFF;
	s21 =	sshll.u32 s7, $0x1;
	s4 =	sadd.s32 s5, s19  }
0x9d: {  	s8 =	simm.s32 $0x0;
	s20 =	sshll.u32 s6, $0x1;
	s6 =	sadd.s32 s21, s4  }
0x9e: {  	[timem:s8], [sflag:s22] =	dma.local [hbm:s6], s20  }
0x9f: {  	_ =	swait.ge [sflag:s22], s20  }
0xa0: {  	s5 =	ssub.s32 $0x0, s20;
	[sflag:s22] =	ssyncset.done $0x0  }
0xa1: {  	[sflag:s22] =	ssyncadd.s32 s5;
	_ =	sdelay $0x1  }
0xa2: {  	s23 =	simm.s32 $0x1B8B  }
0xa3: {  	_ =	swait.ge [sflag:s23], $0x1  }
0xa4: {  	[sflag:s23] =	ssyncset.done $0x0  }
0xa5: {  	s25 =	simm.s32 $0x1B8E;
	s24 =	sld [smem:$0x3FFE];
	[sflag:s23] =	ssyncadd.s32 $0xFFFFFFFF  }
0xa6: {  	s26 =	simm.s32 $execute0_lowered;
	[smem:$0x3FD2] =	sst s25  }
0xa7: {  	s6 =	sshll.u32 s26, $0x1;
	_ =	strace $0x80000046;
	[dreg:$0x1] =	wrdreg $0xFFFFFFFF  }
0xa8: {  	s28 =	simm.s32 $_size_execute0_lowered;
	s4 =	sadd.s32 s4, s6;
	[dreg:$0x0] =	wrdreg $0x0  }
0xa9: {  	s6 =	sshll.u32 s28, $0x1;
	[dreg:$0x2] =	wrdreg s4  }
0xaa: {  	[dreg:$0x3] =	wrdreg s6  }
0xab: {  	[dreg:$0x4] =	wrdreg $0xC0  }
0xac: {  	_ =	task [dreg:s8], $0x5FFFF  }
0xad: {  	[dreg:$0x1] =	wrdreg $0xFFFFFFFF  }
0xae: {  	[dreg:$0x0] =	wrdreg $0x60  }
0xaf: {  	[dreg:$0x2] =	wrdreg s2  }
0xb0: {  	[dreg:$0x3] =	wrdreg s24  }
0xb1: {  	[dreg:$0x4] =	wrdreg s18  }
0xb2: {  	[dreg:$0x5] =	wrdreg $0x9  }
0xb3: {  	_ =	task.clear_ibuf [dreg:s8], $0x6FFFF;
	_ =	strace $0x90000046  }
0xb4: {  	s29 =	simm.s32 $0x9;
	_ =	strace $0x80000048  }
0xb5: {  	_ =	swait.ge [sflag:s29], $0x1  }
0xb6: {  	[sflag:s29] =	ssyncadd.s32 $0xFFFFFFFF  }
0xb7: {  	_ =	strace $0x90000048  }
0xb8: {  	_ =	sfence  }
0xb9: {  	s30 =	sld [smem:$0x0];
	_ =	sdelay $0x2  }
0xba: {  	s31 =	sshll.u32 s1, $0xD;
	s1 =	sshrl.u32 s1, $0x2  }
0xbb: {  	s3 =	sand.u32 $0x4000, s31;
	s1 =	sadd.s32 s1, s30  }
0xbc: {  	s0 =	sor.u32 s3, s0;
	s1 =	sshll.u32 s1, $0x11  }
0xbd: {  	s0 =	sor.u32 s1, s0  }
0xbe: {  	s0 =	sadd.s32 $0x8F2B, s0  }
0xbf: {  	[sflag:s0] =	ssyncadd.remote.s32 $0x1  }
0xc0: {  	_ =	sfence.sel $0xFFFF  }
0xc1: {  	[dreg:$0x0] =	wrdreg $0xFFFFFFFF;
	(pc) =	sbr.abs _section_cstart, $3  }
0xc2: {  	[dreg:$0x1] =	wrdreg $0xFFFFFFFF  }
0xc3: {  	_ =	task.clear_ibuf [dreg:s8], $0x2FFFF;
	_ =	strace $0x9FFFFFFF  }
0xc4: {  	(tm) =	ssettm $0x7FFFFFFF  }
0xc5: {  	_ =	shalt  }
tec
execute0_lowered:
.L_overlay_start_1:
0x0: {  	(tag) =	ssettag $0x1  }
0x1: {  	s4 =	rddreg [dreg:$0x0]  }
0x2: {  	s3 =	rddreg [dreg:$0x1]  }
0x3: {  	s6 =	rddreg [dreg:$0x2]  }
0x4: {  	s0 =	rddreg [dreg:$0x3]  }
0x5: {  	s2 =	simm.s32 $0x0;
	s5 =	srdreg.scid;
	s1 =	stileid.u32  }
0x6: {  	s12 =	simm.s32 $0x1B;
	[smem:$0x7FF] =	sst s2;
	s5 =	sand.u32 $0x1, s5  }
0x7: {  	s7 =	smul.u32 $0x34000, s1;
	s3 =	sadd.s32 $0x400, s3;
	s10 =	sshll.u32 s1, $0xC  }
0x8: {  	v0 =	vlaneseq.u32;
	s8 =	smul.u32 $0x1A000, s5;
	s9 =	ssub.s32 $0x2, s5;
	s5 =	sshll.u32 s5, $0xB  }
0x9: {  	v0 =	vmul.u32 $0x20, v0;
	_ =	strace $0x80000047;
	s11 =	sshrl.u32 s9, $0x1;
	s5 =	sor.u32 s5, s10  }
0xa: {  	s10 =	simm.s32 $0x1C;
	s7 =	sadd.s32 s8, s7;
	s31 =	ssub.s32 s9, s11  }
0xb: {  	v1 =	vor.u32 $0x200, v0;
	s4 =	sadd.s32 s5, s4;
	s8 =	simm.s32 $0x80;
	s9 =	simm.s32 $0x1A000  }
0xc: {  	v2 =	vor.u32 $0x400, v0;
	v3 =	vor.u32 $0x600, v0;
	v4 =	vor.u32 $0x800, v0;
	s11 =	simm.s32 $0x340;
	s7 =	sshrl.u32 s7, $0x3;
	s4 =	sadd.s32 $0xC, s4  }
0xd: {  	v5 =	vor.u32 $0xA00, v0;
	v6 =	vor.u32 $0xC00, v0;
	v7 =	vor.u32 $0xE00, v0;
	s5 =	smax.u32 s31, $0x1;
	s6 =	sadd.s32 s7, s6;
	s7 =	simm.s32 $0x20  }
.LBB2_1:
0xe: {  	s13 =	simm.s32 $0x6  }
0xf: {  	v8 =	vmov s13  }
0x10: {  	v8 =	vand.u32 $0x3F, v8  }
0x11: {  	v9 =	vadd.s32 v0, v8  }
0x12: {  	[tilespmem:s9], [sflag:$0x1C] =	stream.strided.gather [hbm4b:s4+s7], $0x1000, s8, s7, $0x38;
	[tilespmem:$0x1BD00] =	vst v63  }
0x13: {  	_ =	swait.ge [sflag:s10], $0x1000  }
0x14: {  	[sflag:s10] =	ssyncset.done $0x0  }
0x15: {  	[sflag:s10] =	ssyncadd.s32 $0xFFFFF000  }
0x16: {  	v9 =	vld.idx.msk [tilespmem:v9+s9+$0x0], $0xffff;
	_ =	sdelay $0x3  }
0x17: {  	v10 =	vadd.s32 v1, v8  }
0x18: {  	v9 =	vtrunc.f32 v9  }
0x19: {  	v9 =	vcvt.f32.s32 v9  }
0x1a: {  	s17 =	simm.s32 $0x1B000  }
0x1b: {  	[tilespmem:s17+$0x0] =	vst v9  }
0x1c: {  	v9 =	vld.idx.msk [tilespmem:v10+s9+$0x0], $0xffff;
	_ =	sdelay $0x3  }
0x1d: {  	v10 =	vadd.s32 v2, v8  }
0x1e: {  	v9 =	vtrunc.f32 v9  }
0x1f: {  	v9 =	vcvt.f32.s32 v9;
	_ =	sdelay $0x1  }
0x20: {  	[tilespmem:s17+$0x10] =	vst v9  }
0x21: {  	v9 =	vld.idx.msk [tilespmem:v10+s9+$0x0], $0xffff;
	_ =	sdelay $0x3  }
0x22: {  	v10 =	vadd.s32 v3, v8  }
0x23: {  	v9 =	vtrunc.f32 v9  }
0x24: {  	v9 =	vcvt.f32.s32 v9;
	_ =	sdelay $0x1  }
0x25: {  	[tilespmem:s17+$0x20] =	vst v9  }
0x26: {  	v9 =	vld.idx.msk [tilespmem:v10+s9+$0x0], $0xffff;
	_ =	sdelay $0x3  }
0x27: {  	v10 =	vadd.s32 v4, v8  }
0x28: {  	v9 =	vtrunc.f32 v9  }
0x29: {  	v9 =	vcvt.f32.s32 v9;
	_ =	sdelay $0x1  }
0x2a: {  	[tilespmem:s17+$0x30] =	vst v9  }
0x2b: {  	v9 =	vld.idx.msk [tilespmem:v10+s9+$0x0], $0xffff;
	_ =	sdelay $0x3  }
0x2c: {  	v10 =	vadd.s32 v5, v8  }
0x2d: {  	v9 =	vtrunc.f32 v9  }
0x2e: {  	v9 =	vcvt.f32.s32 v9;
	_ =	sdelay $0x1  }
0x2f: {  	[tilespmem:s17+$0x40] =	vst v9  }
0x30: {  	v9 =	vld.idx.msk [tilespmem:v10+s9+$0x0], $0xffff;
	_ =	sdelay $0x3  }
0x31: {  	v10 =	vadd.s32 v6, v8  }
0x32: {  	v9 =	vtrunc.f32 v9  }
0x33: {  	v9 =	vcvt.f32.s32 v9;
	_ =	sdelay $0x1  }
0x34: {  	[tilespmem:s17+$0x50] =	vst v9  }
0x35: {  	v9 =	vld.idx.msk [tilespmem:v10+s9+$0x0], $0xffff;
	_ =	sdelay $0x3  }
0x36: {  	v8 =	vadd.s32 v7, v8  }
0x37: {  	v9 =	vtrunc.f32 v9  }
0x38: {  	v9 =	vcvt.f32.s32 v9;
	_ =	sdelay $0x1  }
0x39: {  	[tilespmem:s17+$0x60] =	vst v9  }
0x3a: {  	v8 =	vld.idx.msk [tilespmem:v8+s9+$0x0], $0xffff;
	_ =	sdelay $0x3  }
0x3b: {  	s31 =	simm.s32 $0x7  }
0x3c: {  	v9 =	vmov s31;
	v8 =	vtrunc.f32 v8  }
0x3d: {  	v10 =	vcvt.f32.s32 v8;
	v8 =	vand.u32 $0x3F, v9  }
0x3e: {  	v9 =	vadd.s32 v0, v8  }
0x3f: {  	s19 =	simm.s32 $0x1;
	s18 =	simm.s32 $0x8  }
0x40: {  	s14 =	simm.s32 $0x2;
	s15 =	simm.s32 $0x1000;
	s16 =	sadd.s32 $0xFA0, s3  }
0x41: {  	s20 =	simm.s32 $0x0;
	s21 =	smov.u32 s3;
	s13 =	simm.s32 $0x1B080;
	[tilespmem:s17+$0x70] =	vst v10  }
.LBB2_2:
0x42: {  	[tilespmem:s20], [sflag:s19] =	stream.indirect.gather [hbm4b:s21+s8], $0x20, s17, s8, $0xb8;
	[tilespmem:$0x1BD00] =	vst v63  }
0x43: {  	p0 =	sne.s32 s18, $0x1F;
	s22 =	smov.u32 s18;
	s18 =	sadd.s32 $0x1, s18;
	v9 =	vld.idx.msk [tilespmem:v9+s9+$0x0], $0xffff  }
0x44: {  	s17 =	smov.u32 s13;
	s19 =	smov.u32 s14;
	s20 =	smov.u32 s15  }
0x45: {  	s21 =	smov.u32 s16;
	_ =	sdelay $0x2  }
0x46: {  	v10 =	vadd.s32 v1, v8  }
0x47: {  	v9 =	vtrunc.f32 v9  }
0x48: {  	v9 =	vcvt.f32.s32 v9;
	_ =	sdelay $0x1  }
0x49: {  	[tilespmem:s13+$0x0] =	vst v9  }
0x4a: {  	v9 =	vld.idx.msk [tilespmem:v10+s9+$0x0], $0xffff;
	_ =	sdelay $0x4  }
0x4b: {  	v10 =	vadd.s32 v2, v8  }
0x4c: {  	v9 =	vtrunc.f32 v9  }
0x4d: {  	v9 =	vcvt.f32.s32 v9;
	_ =	sdelay $0x1  }
0x4e: {  	[tilespmem:s13+$0x10] =	vst v9  }
0x4f: {  	v9 =	vld.idx.msk [tilespmem:v10+s9+$0x0], $0xffff;
	_ =	sdelay $0x4  }
0x50: {  	v10 =	vadd.s32 v3, v8  }
0x51: {  	v9 =	vtrunc.f32 v9  }
0x52: {  	v9 =	vcvt.f32.s32 v9;
	_ =	sdelay $0x1  }
0x53: {  	[tilespmem:s13+$0x20] =	vst v9  }
0x54: {  	v9 =	vld.idx.msk [tilespmem:v10+s9+$0x0], $0xffff;
	_ =	sdelay $0x4  }
0x55: {  	v10 =	vadd.s32 v4, v8  }
0x56: {  	v9 =	vtrunc.f32 v9  }
0x57: {  	v9 =	vcvt.f32.s32 v9;
	_ =	sdelay $0x1  }
0x58: {  	[tilespmem:s13+$0x30] =	vst v9  }
0x59: {  	v9 =	vld.idx.msk [tilespmem:v10+s9+$0x0], $0xffff;
	_ =	sdelay $0x4  }
0x5a: {  	v10 =	vadd.s32 v5, v8  }
0x5b: {  	v9 =	vtrunc.f32 v9  }
0x5c: {  	v9 =	vcvt.f32.s32 v9;
	_ =	sdelay $0x1  }
0x5d: {  	[tilespmem:s13+$0x40] =	vst v9  }
0x5e: {  	v9 =	vld.idx.msk [tilespmem:v10+s9+$0x0], $0xffff;
	_ =	sdelay $0x4  }
0x5f: {  	v10 =	vadd.s32 v6, v8  }
0x60: {  	v9 =	vtrunc.f32 v9  }
0x61: {  	v9 =	vcvt.f32.s32 v9;
	_ =	sdelay $0x1  }
0x62: {  	[tilespmem:s13+$0x50] =	vst v9  }
0x63: {  	v9 =	vld.idx.msk [tilespmem:v10+s9+$0x0], $0xffff;
	_ =	sdelay $0x4  }
0x64: {  	v8 =	vadd.s32 v7, v8  }
0x65: {  	v9 =	vtrunc.f32 v9  }
0x66: {  	v9 =	vcvt.f32.s32 v9;
	_ =	sdelay $0x1  }
0x67: {  	[tilespmem:s13+$0x60] =	vst v9  }
0x68: {  	v10 =	vld.idx.msk [tilespmem:v8+s9+$0x0], $0xffff;
	_ =	sdelay $0x3  }
0x69: {  	v8 =	vmov s22  }
.Ltmp0:
0x6a: {  	v8 =	vand.u32 $0x3F, v8;
	(pc) =	sbr.rel @p0 .LBB2_2-.Ltmp0, $4  }
0x6b: {  	v9 =	vadd.s32 v0, v8;
	v10 =	vtrunc.f32 v10  }
0x6c: {  	v10 =	vcvt.f32.s32 v10  }
0x6d: {  	s13 =	sadd.s32 $0x80, s13  }
0x6e: {  	s14 =	sadd.s32 $0x1, s14;
	s15 =	sadd.s32 $0x1000, s15;
	s16 =	sadd.s32 $0xFA0, s16;
	[tilespmem:s17+$0x70] =	vst v10  }
0x6f: {  	_ =	sdelay $0x2  }
0x70: {  	[tilespmem:s20], [sflag:s19] =	stream.indirect.gather [hbm4b:s21+s8], $0x20, s17, s8, $0xb8;
	[tilespmem:$0x1BD00] =	vst v63  }
0x71: {  	v9 =	vld.idx.msk [tilespmem:v9+s9+$0x0], $0xffff;
	_ =	sdelay $0x3  }
0x72: {  	v10 =	vadd.s32 v1, v8  }
0x73: {  	v9 =	vtrunc.f32 v9  }
0x74: {  	v9 =	vcvt.f32.s32 v9;
	_ =	sdelay $0x1  }
0x75: {  	[tilespmem:s13+$0x0] =	vst v9  }
0x76: {  	v9 =	vld.idx.msk [tilespmem:v10+s9+$0x0], $0xffff;
	_ =	sdelay $0x3  }
0x77: {  	v59 =	vadd.s32 v2, v8  }
0x78: {  	v9 =	vtrunc.f32 v9  }
0x79: {  	v9 =	vcvt.f32.s32 v9;
	_ =	sdelay $0x1  }
0x7a: {  	[tilespmem:s13+$0x10] =	vst v9  }
0x7b: {  	v9 =	vld.idx.msk [tilespmem:v59+s9+$0x0], $0xffff;
	_ =	sdelay $0x3  }
0x7c: {  	v60 =	vadd.s32 v3, v8  }
0x7d: {  	v9 =	vtrunc.f32 v9  }
0x7e: {  	v9 =	vcvt.f32.s32 v9;
	_ =	sdelay $0x1  }
0x7f: {  	[tilespmem:s13+$0x20] =	vst v9  }
0x80: {  	v9 =	vld.idx.msk [tilespmem:v60+s9+$0x0], $0xffff;
	_ =	sdelay $0x3  }
0x81: {  	v61 =	vadd.s32 v4, v8  }
0x82: {  	v9 =	vtrunc.f32 v9  }
0x83: {  	v9 =	vcvt.f32.s32 v9;
	_ =	sdelay $0x1  }
0x84: {  	[tilespmem:s13+$0x30] =	vst v9  }
0x85: {  	v9 =	vld.idx.msk [tilespmem:v61+s9+$0x0], $0xffff;
	_ =	sdelay $0x3  }
0x86: {  	v62 =	vadd.s32 v5, v8  }
0x87: {  	v9 =	vtrunc.f32 v9  }
0x88: {  	v9 =	vcvt.f32.s32 v9;
	_ =	sdelay $0x1  }
0x89: {  	[tilespmem:s13+$0x40] =	vst v9  }
0x8a: {  	v9 =	vld.idx.msk [tilespmem:v62+s9+$0x0], $0xffff;
	_ =	sdelay $0x3  }
0x8b: {  	v63 =	vadd.s32 v6, v8  }
0x8c: {  	v9 =	vtrunc.f32 v9  }
0x8d: {  	v9 =	vcvt.f32.s32 v9;
	_ =	sdelay $0x1  }
0x8e: {  	[tilespmem:s13+$0x50] =	vst v9  }
0x8f: {  	v9 =	vld.idx.msk [tilespmem:v63+s9+$0x0], $0xffff;
	_ =	sdelay $0x3  }
0x90: {  	v8 =	vadd.s32 v7, v8  }
0x91: {  	v9 =	vtrunc.f32 v9  }
0x92: {  	v9 =	vcvt.f32.s32 v9;
	_ =	sdelay $0x1  }
0x93: {  	[tilespmem:s13+$0x60] =	vst v9  }
0x94: {  	v8 =	vld.idx.msk [tilespmem:v8+s9+$0x0], $0xffff;
	_ =	sdelay $0x4  }
0x95: {  	v8 =	vtrunc.f32 v8  }
0x96: {  	v8 =	vcvt.f32.s32 v8;
	_ =	sdelay $0x1  }
0x97: {  	s30 =	simm.s32 $0x1;
	[tilespmem:s13+$0x70] =	vst v8  }
0x98: {  	[tilespmem:s15], [sflag:s14] =	stream.indirect.gather [hbm4b:s16+s8], $0x20, s13, s8, $0xb8;
	[tilespmem:$0x1BD00] =	vst v63  }
0x99: {  	_ =	swait.ge [sflag:s30], $0x1000  }
0x9a: {  	s31 =	sadd.s32 $0x0, s6;
	[sflag:s30] =	ssyncset.done $0x0  }
0x9b: {  	s13 =	simm.s32 $0x0;
	s14 =	simm.s32 $0x2;
	[sflag:s30] =	ssyncadd.s32 $0xFFFFF000  }
0x9c: {  	[hbm4b:s31+s7] =	stream.strided.scatter [tilespmem:s13], [sflag:$0x1B], $0x1000, s11, s7, $0x38;
	[tilespmem:$0x1BD00] =	vst v63  }
0x9d: {  	s15 =	simm.s32 $0x4;
	s16 =	simm.s32 $0x8;
	_ =	swait.ge [sflag:s14], $0x1000  }
.LBB2_4:
0x9e: {  	s17 =	sshra.s32 s16, $0x2;
	[sflag:s14] =	ssyncset.done $0x0  }
0x9f: {  	s13 =	sadd.s32 $0x1000, s13;
	s15 =	sadd.s32 s15, s6;
	p0 =	sne.s32 s16, $0x64  }
.Ltmp1:
0xa0: {  	[sflag:s14] =	ssyncadd.s32 $0xFFFFF000;
	s14 =	sadd.s32 $0x1, s17;
	(pc) =	sbr.rel @p0 .LBB2_4-.Ltmp1, $3  }
0xa1: {  	[hbm4b:s15+s7] =	stream.strided.scatter [tilespmem:s13], [sflag:$0x1B], $0x1000, s11, s7, $0x38;
	[tilespmem:$0x1BD00] =	vst v63  }
0xa2: {  	s15 =	smov.u32 s16;
	_ =	swait.ge [sflag:s14], $0x1000;
	_ =	sdelay $0x1  }
0xa3: {  	s16 =	sadd.s32 $0x4, s16  }
0xa4: {  	[sflag:s14] =	ssyncset.done $0x0  }
0xa5: {  	s13 =	sadd.s32 $0x1000, s13;
	s31 =	sadd.s32 s15, s6;
	[sflag:s14] =	ssyncadd.s32 $0xFFFFF000  }
0xa6: {  	[hbm4b:s31+s7] =	stream.strided.scatter [tilespmem:s13], [sflag:$0x1B], $0x1000, s11, s7, $0x38;
	[tilespmem:$0x1BD00] =	vst v63  }
0xa7: {  	_ =	swait.ge [sflag:s12], $0x1000  }
0xa8: {  	[sflag:s12] =	ssyncset.done $0x0  }
0xa9: {  	[sflag:s12] =	ssyncadd.s32 $0xFFFFF000  }
0xaa: {  	_ =	swait.ge [sflag:s12], $0x1000  }
0xab: {  	[sflag:s12] =	ssyncset.done $0x0  }
0xac: {  	[sflag:s12] =	ssyncadd.s32 $0xFFFFF000  }
0xad: {  	_ =	swait.ge [sflag:s12], $0x1000  }
0xae: {  	[sflag:s12] =	ssyncset.done $0x0  }
0xaf: {  	[sflag:s12] =	ssyncadd.s32 $0xFFFFF000  }
0xb0: {  	_ =	swait.ge [sflag:s12], $0x1000  }
0xb1: {  	[sflag:s12] =	ssyncset.done $0x0  }
0xb2: {  	[sflag:s12] =	ssyncadd.s32 $0xFFFFF000  }
0xb3: {  	_ =	swait.ge [sflag:s12], $0x1000  }
0xb4: {  	[sflag:s12] =	ssyncset.done $0x0  }
0xb5: {  	[sflag:s12] =	ssyncadd.s32 $0xFFFFF000  }
0xb6: {  	_ =	swait.ge [sflag:s12], $0x1000  }
0xb7: {  	[sflag:s12] =	ssyncset.done $0x0  }
0xb8: {  	[sflag:s12] =	ssyncadd.s32 $0xFFFFF000  }
0xb9: {  	_ =	swait.ge [sflag:s12], $0x1000  }
0xba: {  	[sflag:s12] =	ssyncset.done $0x0  }
0xbb: {  	[sflag:s12] =	ssyncadd.s32 $0xFFFFF000  }
0xbc: {  	_ =	swait.ge [sflag:s12], $0x1000  }
0xbd: {  	[sflag:s12] =	ssyncset.done $0x0  }
0xbe: {  	[sflag:s12] =	ssyncadd.s32 $0xFFFFF000  }
0xbf: {  	_ =	swait.ge [sflag:s12], $0x1000  }
0xc0: {  	[sflag:s12] =	ssyncset.done $0x0  }
0xc1: {  	[sflag:s12] =	ssyncadd.s32 $0xFFFFF000  }
0xc2: {  	_ =	swait.ge [sflag:s12], $0x1000  }
0xc3: {  	[sflag:s12] =	ssyncset.done $0x0  }
0xc4: {  	[sflag:s12] =	ssyncadd.s32 $0xFFFFF000  }
0xc5: {  	_ =	swait.ge [sflag:s12], $0x1000  }
0xc6: {  	[sflag:s12] =	ssyncset.done $0x0  }
0xc7: {  	[sflag:s12] =	ssyncadd.s32 $0xFFFFF000  }
0xc8: {  	_ =	swait.ge [sflag:s12], $0x1000  }
0xc9: {  	[sflag:s12] =	ssyncset.done $0x0  }
0xca: {  	[sflag:s12] =	ssyncadd.s32 $0xFFFFF000  }
0xcb: {  	_ =	swait.ge [sflag:s12], $0x1000  }
0xcc: {  	[sflag:s12] =	ssyncset.done $0x0  }
0xcd: {  	[sflag:s12] =	ssyncadd.s32 $0xFFFFF000  }
0xce: {  	_ =	swait.ge [sflag:s12], $0x1000  }
0xcf: {  	[sflag:s12] =	ssyncset.done $0x0  }
0xd0: {  	[sflag:s12] =	ssyncadd.s32 $0xFFFFF000  }
0xd1: {  	_ =	swait.ge [sflag:s12], $0x1000  }
0xd2: {  	[sflag:s12] =	ssyncset.done $0x0  }
0xd3: {  	[sflag:s12] =	ssyncadd.s32 $0xFFFFF000  }
0xd4: {  	_ =	swait.ge [sflag:s12], $0x1000  }
0xd5: {  	[sflag:s12] =	ssyncset.done $0x0  }
0xd6: {  	[sflag:s12] =	ssyncadd.s32 $0xFFFFF000  }
0xd7: {  	_ =	swait.ge [sflag:s12], $0x1000  }
0xd8: {  	[sflag:s12] =	ssyncset.done $0x0  }
0xd9: {  	[sflag:s12] =	ssyncadd.s32 $0xFFFFF000  }
0xda: {  	_ =	swait.ge [sflag:s12], $0x1000  }
0xdb: {  	[sflag:s12] =	ssyncset.done $0x0  }
0xdc: {  	[sflag:s12] =	ssyncadd.s32 $0xFFFFF000  }
0xdd: {  	_ =	swait.ge [sflag:s12], $0x1000  }
0xde: {  	[sflag:s12] =	ssyncset.done $0x0  }
0xdf: {  	[sflag:s12] =	ssyncadd.s32 $0xFFFFF000  }
0xe0: {  	_ =	swait.ge [sflag:s12], $0x1000  }
0xe1: {  	[sflag:s12] =	ssyncset.done $0x0  }
0xe2: {  	[sflag:s12] =	ssyncadd.s32 $0xFFFFF000  }
0xe3: {  	_ =	swait.ge [sflag:s12], $0x1000  }
0xe4: {  	[sflag:s12] =	ssyncset.done $0x0  }
0xe5: {  	[sflag:s12] =	ssyncadd.s32 $0xFFFFF000  }
0xe6: {  	_ =	swait.ge [sflag:s12], $0x1000  }
0xe7: {  	[sflag:s12] =	ssyncset.done $0x0  }
0xe8: {  	[sflag:s12] =	ssyncadd.s32 $0xFFFFF000  }
0xe9: {  	_ =	swait.ge [sflag:s12], $0x1000  }
0xea: {  	[sflag:s12] =	ssyncset.done $0x0  }
0xeb: {  	[sflag:s12] =	ssyncadd.s32 $0xFFFFF000  }
0xec: {  	_ =	swait.ge [sflag:s12], $0x1000  }
0xed: {  	[sflag:s12] =	ssyncset.done $0x0  }
0xee: {  	s2 =	sadd.s32 $0x1, s2;
	[sflag:s12] =	ssyncadd.s32 $0xFFFFF000  }
0xef: {  	p0 =	sne.s32 s2, s5;
	_ =	swait.ge [sflag:s12], $0x1000  }
.Ltmp2:
0xf0: {  	[sflag:s12] =	ssyncset.done $0x0;
	(pc) =	sbr.rel @p0 .LBB2_1-.Ltmp2, $4  }
0xf1: {  	[sflag:s12] =	ssyncadd.s32 $0xFFFFF000  }
0xf2: {  	_ =	swait.ge [sflag:s12], $0x1000  }
0xf3: {  	[sflag:s12] =	ssyncset.done $0x0  }
0xf4: {  	[sflag:s12] =	ssyncadd.s32 $0xFFFFF000  }
0xf5: {  	_ =	sfence.sel $0x180000  }
0xf6: {  	[bflag:$0x0] =	sbarrier.arrive $0xFFFF  }
0xf7: {  	p0 =	sne.s32 s1, $0x0;
	_ =	strace $0x90000047  }
0xf8: {  	s0 =	sadd.s32 @!p0 $0x100000, s0;
	[bflag:$0x2] =	sbarrier.arrive $0xFFFF  }
0xf9: {  	[sflag:s0] =	ssyncadd.tile.s32 @!p0 $0x1;
	_ =	shalt  }
.Lfunc_end2:
_tile_overlayer_lowered:
.L_overlay_start_2:
0xfa: {  	(tag) =	ssettag $0x2  }
0xfb: {  	s0 =	rddreg [dreg:$0x0];
	s2 =	stileid.u32  }
0xfc: {  	s1 =	rddreg [dreg:$0x1];
	p0 =	sne.s32 s2, $0x0  }
0xfd: {  	s3 =	rddreg [dreg:$0x2];
	[bflag:$0x3] =	sbarrier.arrive $0xFFFF;
	s2 =	simm.s32 @!p0 $0x1C1C  }
0xfe: {  	[timem:s3], [sflag:s2] =	dma.local @!p0 [hbm:s0], s1  }
0xff: {  	s0 =	simm.s32 @!p0 $0x1C  }
0x100: {  	_ =	swait.ge @!p0 [sflag:s0], s1  }
0x101: {  	s1 =	ssub.s32 @!p0 $0x0, s1;
	[sflag:s0] =	ssyncset.done @!p0 $0x0  }
0x102: {  	[sflag:s0] =	ssyncadd.s32 @!p0 s1  }
0x103: {  	[bflag:$0x3] =	sbarrier.arrive $0xFFFF  }
0x104: {  	_ =	shalt  }

</sc_bundles>
